<compile_context>
chip_gen: v7x
topology: tpu7x:2x2x1
jax: 0.10.2.dev20260603
libtpu: 0.0.44.dev20260713+nightly
codegen_flags: <defaults>
</compile_context>

<pallas_src>
import functools

import jax
import jax.numpy as jnp
from jax import lax
from jax.experimental import pallas as pl
from jax.experimental.pallas import tpu as pltpu
from jax.experimental.pallas import tpu_sc as plsc

_B, _N = 16, 20000
_L = 16
_W = 1280
_NPAD = 20096

_mesh = plsc.VectorSubcoreMesh(core_axis_name="c", subcore_axis_name="s")


@functools.partial(
    pl.kernel,
    mesh=_mesh,
    out_type=jax.ShapeDtypeStruct((_B, _N), jnp.float32),
    scratch_types=[pltpu.VMEM((8, _W), jnp.float32)],
)
def _sc_threshold(conf_hbm, out_hbm, buf):
    g = lax.axis_index("c")
    k = lax.axis_index("s")
    row = g * 8
    col = 128 * lax.min(k * (_W // 128), (_NPAD - _W) // 128)

    pltpu.sync_copy(
        conf_hbm.at[pl.ds(row, 8), pl.ds(col, _W)],
        buf)

    @plsc.parallel_loop(0, _W // _L, unroll=1)
    def body(v):
        for j in range(8):
            x = buf[j, pl.ds(v * _L, _L)]
            buf[j, pl.ds(v * _L, _L)] = jnp.where(
                x > jnp.float32(0.15), jnp.float32(0.0), x)

    pltpu.sync_copy(
        buf,
        out_hbm.at[pl.ds(row, 8), pl.ds(col, _W)])


@jax.jit
def kernel(output):
    B, C, N = output.shape
    conf = output[:, 4, :]
    scores = _sc_threshold(conf)
    boxes = jnp.zeros((B, N, 4), jnp.int32)
    n = jnp.asarray(B, dtype=jnp.int32)
    return (n, boxes, scores)

# --- scband reference (transcript-rebuilt; emitter-appended) ---
"""Pipeline reference for scband-postprocess-19739669692975 (READ-ONLY COPY).

The authoritative reference and input builder live on the scoring server;
editing this copy changes nothing except your own understanding.
"""

import jax, jax.numpy as jnp
import numpy as np


def setup_inputs(seed: int = 0) -> dict:
    key = jax.random.key(seed)
    output = jax.random.uniform(key, (16, 85, 20000), dtype=jnp.float32)
    return {"output": output}


def reference(output):
    # output: [B, C, N] -> transpose(2, 1) -> [B, N, C]
    out = jnp.transpose(output, (0, 2, 1))
    # xywh -> xyxy in-place style sequential updates (faithful to torch in-place ops)
    out = out.at[:, :, 0].set(out[:, :, 0] - out[:, :, 2] / 2)
    out = out.at[:, :, 1].set(out[:, :, 1] - out[:, :, 3] / 2)
    out = out.at[:, :, 2].set(out[:, :, 2] + out[:, :, 0])
    out = out.at[:, :, 3].set(out[:, :, 3] + out[:, :, 1])
    # mask = full True; mask[:, :, 4] = conf > 0.15; output[mask] = 0
    mask = jnp.ones(out.shape, dtype=bool)
    mask = mask.at[:, :, 4].set(out[:, :, 4] > 0.15)
    out = jnp.where(mask, jnp.float32(0.0), out)
    # NOTE: the original loop runs torchvision.ops.nms per batch element purely to
    # print shapes; it does not modify `output`, so it has no effect on the returned
    # values and is omitted here.
    # swap channels 1 and 3: output[:, :, [3, 1]] = output[:, :, [1, 3]]
    c1 = out[:, :, 1]
    c3 = out[:, :, 3]
    out = out.at[:, :, 3].set(c1)
    out = out.at[:, :, 1].set(c3)
    n = jnp.asarray(out.shape[0], dtype=jnp.int32)  # output[:, :, 4].size(dim=0) == batch size
    boxes = out[:, :, :4].astype(jnp.int32)
    scores = out[:, :, 4]
    return (n, boxes, scores)

if __name__ == "__main__":
    import jax
    _d = setup_inputs()
    print(jax.jit(kernel)(*tuple(_d.values())))

</pallas_src>

<mosaic_0001>
#map = affine_map<(d0, d1) -> (0, 0)>
module attributes {stable_mosaic.version = 14 : i64} {
  func.func @_sc_threshold(%arg0: i32, %arg1: i32, %arg2: memref<16x20000xf32, #tpu.memory_space<hbm>>, %arg3: memref<16x20000xf32, #tpu.memory_space<hbm>>, %arg4: memref<8x1280xf32, #tpu.memory_space<vmem>>) attributes {dimension_semantics = [#tpu.dimension_semantics<core_parallel>, #tpu.dimension_semantics<subcore_parallel>], iteration_bounds = array<i64: 2, 16>, scalar_prefetch = 0 : i64, scratch_operands = 1 : i64, tpu.core_type = #tpu.core_type<sc_vector_subcore>, window_params = [{transform_indices = #map}, {transform_indices = #map}]} {
    %mul3A = arith.constant 8 : i32
    %mul3A_0 = arith.muli %arg0, %mul3A : i32
    %mul3A_1 = arith.constant 10 : i32
    %mul3A_2 = arith.muli %arg1, %mul3A_1 : i32
    %min3A = arith.constant 147 : i32
    %min3A_3 = arith.minsi %mul3A_2, %min3A : i32
    %mul3A_4 = arith.constant 128 : i32
    %mul3A_5 = arith.muli %mul3A_4, %min3A_3 : i32
    "tpu.region"() ({
      %run_scoped3A = tpu.sem_alloc : memref<!tpu.dma_semaphore, #tpu.memory_space<semaphore_mem>>
      %dma_start3A = tpu.memref_slice %arg2[%mul3A_0, %mul3A_5] : memref<16x20000xf32, #tpu.memory_space<hbm>> -> memref<8x1280xf32, #tpu.memory_space<hbm>>
      %dma_start3A_8 = tpu.memref_slice %arg2[%mul3A_0, %mul3A_5] : memref<16x20000xf32, #tpu.memory_space<hbm>> -> memref<8x1280xf32, #tpu.memory_space<hbm>>
      tpu.enqueue_dma source(%dma_start3A_8 : memref<8x1280xf32, #tpu.memory_space<hbm>>) target(%arg4 : memref<8x1280xf32, #tpu.memory_space<vmem>>) target_semaphore(%run_scoped3A : memref<!tpu.dma_semaphore, #tpu.memory_space<semaphore_mem>>)
      %dma_wait3A = tpu.memref_slice %arg2[%mul3A_0, %mul3A_5] : memref<16x20000xf32, #tpu.memory_space<hbm>> -> memref<8x1280xf32, #tpu.memory_space<hbm>>
      %dma_wait3A_9 = tpu.memref_slice %arg2[%mul3A_0, %mul3A_5] : memref<16x20000xf32, #tpu.memory_space<hbm>> -> memref<8x1280xf32, #tpu.memory_space<hbm>>
      tpu.wait_dma2 semaphore(%run_scoped3A : memref<!tpu.dma_semaphore, #tpu.memory_space<semaphore_mem>>) src(%dma_wait3A_9 : memref<8x1280xf32, #tpu.memory_space<hbm>>) dst(%arg4 : memref<8x1280xf32, #tpu.memory_space<vmem>>)
      tpu.yield
    }) : () -> ()
    %parallel_loop3A = arith.constant 0 : i32
    %parallel_loop3A_6 = arith.constant 80 : i32
    %parallel_loop3A_7 = arith.constant 1 : i32
    scf.for %parallel_loop3A_8 = %parallel_loop3A to %parallel_loop3A_6 step %parallel_loop3A_7  : i32 {
      %parallel_loop3A_9 = arith.constant 16 : i32
      %parallel_loop3A_10 = arith.muli %parallel_loop3A_8, %parallel_loop3A_9 : i32
      %parallel_loop3A_11 = arith.constant 0 : i32
      %parallel_loop3A_12 = arith.index_cast %parallel_loop3A_11 : i32 to index
      %parallel_loop3A_13 = arith.index_cast %parallel_loop3A_10 : i32 to index
      %parallel_loop3A_14 = tpu.vector_load %arg4[%parallel_loop3A_12, %parallel_loop3A_13] {strides = array<i32>} : memref<8x1280xf32, #tpu.memory_space<vmem>>, vector<1x16xf32>,
      %parallel_loop3A_15 = vector.shape_cast %parallel_loop3A_14 : vector<1x16xf32> to vector<16xf32>
      %parallel_loop3A_16 = arith.constant 1.500000e-01 : f32
      %parallel_loop3A_17 = vector.broadcast %parallel_loop3A_16 : f32 to vector<16xf32>
      %parallel_loop3A_18 = arith.cmpf ogt, %parallel_loop3A_15, %parallel_loop3A_17 : vector<16xf32>
      %parallel_loop3A_19 = arith.constant 0.000000e+00 : f32
      %parallel_loop3A_20 = vector.broadcast %parallel_loop3A_19 : f32 to vector<16xf32>
      %parallel_loop3A_21 = arith.select %parallel_loop3A_18, %parallel_loop3A_20, %parallel_loop3A_15 : vector<16xi1>, vector<16xf32>
      %parallel_loop3A_22 = arith.constant 16 : i32
      %parallel_loop3A_23 = arith.muli %parallel_loop3A_8, %parallel_loop3A_22 : i32
      %parallel_loop3A_24 = arith.constant 0 : i32
      %parallel_loop3A_25 = arith.index_cast %parallel_loop3A_24 : i32 to index
      %parallel_loop3A_26 = arith.index_cast %parallel_loop3A_23 : i32 to index
      %parallel_loop3A_27 = tpu.vector_load %arg4[%parallel_loop3A_25, %parallel_loop3A_26] {strides = array<i32>} : memref<8x1280xf32, #tpu.memory_space<vmem>>, vector<1x16xf32>,
      %parallel_loop3A_28 = vector.shape_cast %parallel_loop3A_27 : vector<1x16xf32> to vector<16xf32>
      %parallel_loop3A_29 = vector.shape_cast %parallel_loop3A_21 : vector<16xf32> to vector<1x16xf32>
      tpu.vector_store %arg4[%parallel_loop3A_25, %parallel_loop3A_26], %parallel_loop3A_29 {strides = array<i32>} : memref<8x1280xf32, #tpu.memory_space<vmem>>, vector<1x16xf32>,
      %parallel_loop3A_30 = arith.constant 16 : i32
      %parallel_loop3A_31 = arith.muli %parallel_loop3A_8, %parallel_loop3A_30 : i32
      %parallel_loop3A_32 = arith.constant 1 : i32
      %parallel_loop3A_33 = arith.index_cast %parallel_loop3A_32 : i32 to index
      %parallel_loop3A_34 = arith.index_cast %parallel_loop3A_31 : i32 to index
      %parallel_loop3A_35 = tpu.vector_load %arg4[%parallel_loop3A_33, %parallel_loop3A_34] {strides = array<i32>} : memref<8x1280xf32, #tpu.memory_space<vmem>>, vector<1x16xf32>,
      %parallel_loop3A_36 = vector.shape_cast %parallel_loop3A_35 : vector<1x16xf32> to vector<16xf32>
      %parallel_loop3A_37 = arith.constant 1.500000e-01 : f32
      %parallel_loop3A_38 = vector.broadcast %parallel_loop3A_37 : f32 to vector<16xf32>
      %parallel_loop3A_39 = arith.cmpf ogt, %parallel_loop3A_36, %parallel_loop3A_38 : vector<16xf32>
      %parallel_loop3A_40 = arith.constant 0.000000e+00 : f32
      %parallel_loop3A_41 = vector.broadcast %parallel_loop3A_40 : f32 to vector<16xf32>
      %parallel_loop3A_42 = arith.select %parallel_loop3A_39, %parallel_loop3A_41, %parallel_loop3A_36 : vector<16xi1>, vector<16xf32>
      %parallel_loop3A_43 = arith.constant 16 : i32
      %parallel_loop3A_44 = arith.muli %parallel_loop3A_8, %parallel_loop3A_43 : i32
      %parallel_loop3A_45 = arith.constant 1 : i32
      %parallel_loop3A_46 = arith.index_cast %parallel_loop3A_45 : i32 to index
      %parallel_loop3A_47 = arith.index_cast %parallel_loop3A_44 : i32 to index
      %parallel_loop3A_48 = tpu.vector_load %arg4[%parallel_loop3A_46, %parallel_loop3A_47] {strides = array<i32>} : memref<8x1280xf32, #tpu.memory_space<vmem>>, vector<1x16xf32>,
      %parallel_loop3A_49 = vector.shape_cast %parallel_loop3A_48 : vector<1x16xf32> to vector<16xf32>
      %parallel_loop3A_50 = vector.shape_cast %parallel_loop3A_42 : vector<16xf32> to vector<1x16xf32>
      tpu.vector_store %arg4[%parallel_loop3A_46, %parallel_loop3A_47], %parallel_loop3A_50 {strides = array<i32>} : memref<8x1280xf32, #tpu.memory_space<vmem>>, vector<1x16xf32>,
      %parallel_loop3A_51 = arith.constant 16 : i32
      %parallel_loop3A_52 = arith.muli %parallel_loop3A_8, %parallel_loop3A_51 : i32
      %parallel_loop3A_53 = arith.constant 2 : i32
      %parallel_loop3A_54 = arith.index_cast %parallel_loop3A_53 : i32 to index
      %parallel_loop3A_55 = arith.index_cast %parallel_loop3A_52 : i32 to index
      %parallel_loop3A_56 = tpu.vector_load %arg4[%parallel_loop3A_54, %parallel_loop3A_55] {strides = array<i32>} : memref<8x1280xf32, #tpu.memory_space<vmem>>, vector<1x16xf32>,
      %parallel_loop3A_57 = vector.shape_cast %parallel_loop3A_56 : vector<1x16xf32> to vector<16xf32>
      %parallel_loop3A_58 = arith.constant 1.500000e-01 : f32
      %parallel_loop3A_59 = vector.broadcast %parallel_loop3A_58 : f32 to vector<16xf32>
      %parallel_loop3A_60 = arith.cmpf ogt, %parallel_loop3A_57, %parallel_loop3A_59 : vector<16xf32>
      %parallel_loop3A_61 = arith.constant 0.000000e+00 : f32
      %parallel_loop3A_62 = vector.broadcast %parallel_loop3A_61 : f32 to vector<16xf32>
      %parallel_loop3A_63 = arith.select %parallel_loop3A_60, %parallel_loop3A_62, %parallel_loop3A_57 : vector<16xi1>, vector<16xf32>
      %parallel_loop3A_64 = arith.constant 16 : i32
      %parallel_loop3A_65 = arith.muli %parallel_loop3A_8, %parallel_loop3A_64 : i32
      %parallel_loop3A_66 = arith.constant 2 : i32
      %parallel_loop3A_67 = arith.index_cast %parallel_loop3A_66 : i32 to index
      %parallel_loop3A_68 = arith.index_cast %parallel_loop3A_65 : i32 to index
      %parallel_loop3A_69 = tpu.vector_load %arg4[%parallel_loop3A_67, %parallel_loop3A_68] {strides = array<i32>} : memref<8x1280xf32, #tpu.memory_space<vmem>>, vector<1x16xf32>,
      %parallel_loop3A_70 = vector.shape_cast %parallel_loop3A_69 : vector<1x16xf32> to vector<16xf32>
      %parallel_loop3A_71 = vector.shape_cast %parallel_loop3A_63 : vector<16xf32> to vector<1x16xf32>
      tpu.vector_store %arg4[%parallel_loop3A_67, %parallel_loop3A_68], %parallel_loop3A_71 {strides = array<i32>} : memref<8x1280xf32, #tpu.memory_space<vmem>>, vector<1x16xf32>,
      %parallel_loop3A_72 = arith.constant 16 : i32
      %parallel_loop3A_73 = arith.muli %parallel_loop3A_8, %parallel_loop3A_72 : i32
      %parallel_loop3A_74 = arith.constant 3 : i32
      %parallel_loop3A_75 = arith.index_cast %parallel_loop3A_74 : i32 to index
      %parallel_loop3A_76 = arith.index_cast %parallel_loop3A_73 : i32 to index
      %parallel_loop3A_77 = tpu.vector_load %arg4[%parallel_loop3A_75, %parallel_loop3A_76] {strides = array<i32>} : memref<8x1280xf32, #tpu.memory_space<vmem>>, vector<1x16xf32>,
      %parallel_loop3A_78 = vector.shape_cast %parallel_loop3A_77 : vector<1x16xf32> to vector<16xf32>
      %parallel_loop3A_79 = arith.constant 1.500000e-01 : f32
      %parallel_loop3A_80 = vector.broadcast %parallel_loop3A_79 : f32 to vector<16xf32>
      %parallel_loop3A_81 = arith.cmpf ogt, %parallel_loop3A_78, %parallel_loop3A_80 : vector<16xf32>
      %parallel_loop3A_82 = arith.constant 0.000000e+00 : f32
      %parallel_loop3A_83 = vector.broadcast %parallel_loop3A_82 : f32 to vector<16xf32>
      %parallel_loop3A_84 = arith.select %parallel_loop3A_81, %parallel_loop3A_83, %parallel_loop3A_78 : vector<16xi1>, vector<16xf32>
      %parallel_loop3A_85 = arith.constant 16 : i32
      %parallel_loop3A_86 = arith.muli %parallel_loop3A_8, %parallel_loop3A_85 : i32
      %parallel_loop3A_87 = arith.constant 3 : i32
      %parallel_loop3A_88 = arith.index_cast %parallel_loop3A_87 : i32 to index
      %parallel_loop3A_89 = arith.index_cast %parallel_loop3A_86 : i32 to index
      %parallel_loop3A_90 = tpu.vector_load %arg4[%parallel_loop3A_88, %parallel_loop3A_89] {strides = array<i32>} : memref<8x1280xf32, #tpu.memory_space<vmem>>, vector<1x16xf32>,
      %parallel_loop3A_91 = vector.shape_cast %parallel_loop3A_90 : vector<1x16xf32> to vector<16xf32>
      %parallel_loop3A_92 = vector.shape_cast %parallel_loop3A_84 : vector<16xf32> to vector<1x16xf32>
      tpu.vector_store %arg4[%parallel_loop3A_88, %parallel_loop3A_89], %parallel_loop3A_92 {strides = array<i32>} : memref<8x1280xf32, #tpu.memory_space<vmem>>, vector<1x16xf32>,
      %parallel_loop3A_93 = arith.constant 16 : i32
      %parallel_loop3A_94 = arith.muli %parallel_loop3A_8, %parallel_loop3A_93 : i32
      %parallel_loop3A_95 = arith.constant 4 : i32
      %parallel_loop3A_96 = arith.index_cast %parallel_loop3A_95 : i32 to index
      %parallel_loop3A_97 = arith.index_cast %parallel_loop3A_94 : i32 to index
      %parallel_loop3A_98 = tpu.vector_load %arg4[%parallel_loop3A_96, %parallel_loop3A_97] {strides = array<i32>} : memref<8x1280xf32, #tpu.memory_space<vmem>>, vector<1x16xf32>,
      %parallel_loop3A_99 = vector.shape_cast %parallel_loop3A_98 : vector<1x16xf32> to vector<16xf32>
      %parallel_loop3A_100 = arith.constant 1.500000e-01 : f32
      %parallel_loop3A_101 = vector.broadcast %parallel_loop3A_100 : f32 to vector<16xf32>
      %parallel_loop3A_102 = arith.cmpf ogt, %parallel_loop3A_99, %parallel_loop3A_101 : vector<16xf32>
      %parallel_loop3A_103 = arith.constant 0.000000e+00 : f32
      %parallel_loop3A_104 = vector.broadcast %parallel_loop3A_103 : f32 to vector<16xf32>
      %parallel_loop3A_105 = arith.select %parallel_loop3A_102, %parallel_loop3A_104, %parallel_loop3A_99 : vector<16xi1>, vector<16xf32>
      %parallel_loop3A_106 = arith.constant 16 : i32
      %parallel_loop3A_107 = arith.muli %parallel_loop3A_8, %parallel_loop3A_106 : i32
      %parallel_loop3A_108 = arith.constant 4 : i32
      %parallel_loop3A_109 = arith.index_cast %parallel_loop3A_108 : i32 to index
      %parallel_loop3A_110 = arith.index_cast %parallel_loop3A_107 : i32 to index
      %parallel_loop3A_111 = tpu.vector_load %arg4[%parallel_loop3A_109, %parallel_loop3A_110] {strides = array<i32>} : memref<8x1280xf32, #tpu.memory_space<vmem>>, vector<1x16xf32>,
      %parallel_loop3A_112 = vector.shape_cast %parallel_loop3A_111 : vector<1x16xf32> to vector<16xf32>
      %parallel_loop3A_113 = vector.shape_cast %parallel_loop3A_105 : vector<16xf32> to vector<1x16xf32>
      tpu.vector_store %arg4[%parallel_loop3A_109, %parallel_loop3A_110], %parallel_loop3A_113 {strides = array<i32>} : memref<8x1280xf32, #tpu.memory_space<vmem>>, vector<1x16xf32>,
      %parallel_loop3A_114 = arith.constant 16 : i32
      %parallel_loop3A_115 = arith.muli %parallel_loop3A_8, %parallel_loop3A_114 : i32
      %parallel_loop3A_116 = arith.constant 5 : i32
      %parallel_loop3A_117 = arith.index_cast %parallel_loop3A_116 : i32 to index
      %parallel_loop3A_118 = arith.index_cast %parallel_loop3A_115 : i32 to index
      %parallel_loop3A_119 = tpu.vector_load %arg4[%parallel_loop3A_117, %parallel_loop3A_118] {strides = array<i32>} : memref<8x1280xf32, #tpu.memory_space<vmem>>, vector<1x16xf32>,
      %parallel_loop3A_120 = vector.shape_cast %parallel_loop3A_119 : vector<1x16xf32> to vector<16xf32>
      %parallel_loop3A_121 = arith.constant 1.500000e-01 : f32
      %parallel_loop3A_122 = vector.broadcast %parallel_loop3A_121 : f32 to vector<16xf32>
      %parallel_loop3A_123 = arith.cmpf ogt, %parallel_loop3A_120, %parallel_loop3A_122 : vector<16xf32>
      %parallel_loop3A_124 = arith.constant 0.000000e+00 : f32
      %parallel_loop3A_125 = vector.broadcast %parallel_loop3A_124 : f32 to vector<16xf32>
      %parallel_loop3A_126 = arith.select %parallel_loop3A_123, %parallel_loop3A_125, %parallel_loop3A_120 : vector<16xi1>, vector<16xf32>
      %parallel_loop3A_127 = arith.constant 16 : i32
      %parallel_loop3A_128 = arith.muli %parallel_loop3A_8, %parallel_loop3A_127 : i32
      %parallel_loop3A_129 = arith.constant 5 : i32
      %parallel_loop3A_130 = arith.index_cast %parallel_loop3A_129 : i32 to index
      %parallel_loop3A_131 = arith.index_cast %parallel_loop3A_128 : i32 to index
      %parallel_loop3A_132 = tpu.vector_load %arg4[%parallel_loop3A_130, %parallel_loop3A_131] {strides = array<i32>} : memref<8x1280xf32, #tpu.memory_space<vmem>>, vector<1x16xf32>,
      %parallel_loop3A_133 = vector.shape_cast %parallel_loop3A_132 : vector<1x16xf32> to vector<16xf32>
      %parallel_loop3A_134 = vector.shape_cast %parallel_loop3A_126 : vector<16xf32> to vector<1x16xf32>
      tpu.vector_store %arg4[%parallel_loop3A_130, %parallel_loop3A_131], %parallel_loop3A_134 {strides = array<i32>} : memref<8x1280xf32, #tpu.memory_space<vmem>>, vector<1x16xf32>,
      %parallel_loop3A_135 = arith.constant 16 : i32
      %parallel_loop3A_136 = arith.muli %parallel_loop3A_8, %parallel_loop3A_135 : i32
      %parallel_loop3A_137 = arith.constant 6 : i32
      %parallel_loop3A_138 = arith.index_cast %parallel_loop3A_137 : i32 to index
      %parallel_loop3A_139 = arith.index_cast %parallel_loop3A_136 : i32 to index
      %parallel_loop3A_140 = tpu.vector_load %arg4[%parallel_loop3A_138, %parallel_loop3A_139] {strides = array<i32>} : memref<8x1280xf32, #tpu.memory_space<vmem>>, vector<1x16xf32>,
      %parallel_loop3A_141 = vector.shape_cast %parallel_loop3A_140 : vector<1x16xf32> to vector<16xf32>
      %parallel_loop3A_142 = arith.constant 1.500000e-01 : f32
      %parallel_loop3A_143 = vector.broadcast %parallel_loop3A_142 : f32 to vector<16xf32>
      %parallel_loop3A_144 = arith.cmpf ogt, %parallel_loop3A_141, %parallel_loop3A_143 : vector<16xf32>
      %parallel_loop3A_145 = arith.constant 0.000000e+00 : f32
      %parallel_loop3A_146 = vector.broadcast %parallel_loop3A_145 : f32 to vector<16xf32>
      %parallel_loop3A_147 = arith.select %parallel_loop3A_144, %parallel_loop3A_146, %parallel_loop3A_141 : vector<16xi1>, vector<16xf32>
      %parallel_loop3A_148 = arith.constant 16 : i32
      %parallel_loop3A_149 = arith.muli %parallel_loop3A_8, %parallel_loop3A_148 : i32
      %parallel_loop3A_150 = arith.constant 6 : i32
      %parallel_loop3A_151 = arith.index_cast %parallel_loop3A_150 : i32 to index
      %parallel_loop3A_152 = arith.index_cast %parallel_loop3A_149 : i32 to index
      %parallel_loop3A_153 = tpu.vector_load %arg4[%parallel_loop3A_151, %parallel_loop3A_152] {strides = array<i32>} : memref<8x1280xf32, #tpu.memory_space<vmem>>, vector<1x16xf32>,
      %parallel_loop3A_154 = vector.shape_cast %parallel_loop3A_153 : vector<1x16xf32> to vector<16xf32>
      %parallel_loop3A_155 = vector.shape_cast %parallel_loop3A_147 : vector<16xf32> to vector<1x16xf32>
      tpu.vector_store %arg4[%parallel_loop3A_151, %parallel_loop3A_152], %parallel_loop3A_155 {strides = array<i32>} : memref<8x1280xf32, #tpu.memory_space<vmem>>, vector<1x16xf32>,
      %parallel_loop3A_156 = arith.constant 16 : i32
      %parallel_loop3A_157 = arith.muli %parallel_loop3A_8, %parallel_loop3A_156 : i32
      %parallel_loop3A_158 = arith.constant 7 : i32
      %parallel_loop3A_159 = arith.index_cast %parallel_loop3A_158 : i32 to index
      %parallel_loop3A_160 = arith.index_cast %parallel_loop3A_157 : i32 to index
      %parallel_loop3A_161 = tpu.vector_load %arg4[%parallel_loop3A_159, %parallel_loop3A_160] {strides = array<i32>} : memref<8x1280xf32, #tpu.memory_space<vmem>>, vector<1x16xf32>,
      %parallel_loop3A_162 = vector.shape_cast %parallel_loop3A_161 : vector<1x16xf32> to vector<16xf32>
      %parallel_loop3A_163 = arith.constant 1.500000e-01 : f32
      %parallel_loop3A_164 = vector.broadcast %parallel_loop3A_163 : f32 to vector<16xf32>
      %parallel_loop3A_165 = arith.cmpf ogt, %parallel_loop3A_162, %parallel_loop3A_164 : vector<16xf32>
      %parallel_loop3A_166 = arith.constant 0.000000e+00 : f32
      %parallel_loop3A_167 = vector.broadcast %parallel_loop3A_166 : f32 to vector<16xf32>
      %parallel_loop3A_168 = arith.select %parallel_loop3A_165, %parallel_loop3A_167, %parallel_loop3A_162 : vector<16xi1>, vector<16xf32>
      %parallel_loop3A_169 = arith.constant 16 : i32
      %parallel_loop3A_170 = arith.muli %parallel_loop3A_8, %parallel_loop3A_169 : i32
      %parallel_loop3A_171 = arith.constant 7 : i32
      %parallel_loop3A_172 = arith.index_cast %parallel_loop3A_171 : i32 to index
      %parallel_loop3A_173 = arith.index_cast %parallel_loop3A_170 : i32 to index
      %parallel_loop3A_174 = tpu.vector_load %arg4[%parallel_loop3A_172, %parallel_loop3A_173] {strides = array<i32>} : memref<8x1280xf32, #tpu.memory_space<vmem>>, vector<1x16xf32>,
      %parallel_loop3A_175 = vector.shape_cast %parallel_loop3A_174 : vector<1x16xf32> to vector<16xf32>
      %parallel_loop3A_176 = vector.shape_cast %parallel_loop3A_168 : vector<16xf32> to vector<1x16xf32>
      tpu.vector_store %arg4[%parallel_loop3A_172, %parallel_loop3A_173], %parallel_loop3A_176 {strides = array<i32>} : memref<8x1280xf32, #tpu.memory_space<vmem>>, vector<1x16xf32>,
    } {sc.loop_unroll_factor = 1 : i64, sc.parallel_access}
    "tpu.region"() ({
      %run_scoped3A = tpu.sem_alloc : memref<!tpu.dma_semaphore, #tpu.memory_space<semaphore_mem>>
      %dma_start3A = tpu.memref_slice %arg3[%mul3A_0, %mul3A_5] : memref<16x20000xf32, #tpu.memory_space<hbm>> -> memref<8x1280xf32, #tpu.memory_space<hbm>>
      %dma_start3A_8 = tpu.memref_slice %arg3[%mul3A_0, %mul3A_5] : memref<16x20000xf32, #tpu.memory_space<hbm>> -> memref<8x1280xf32, #tpu.memory_space<hbm>>
      tpu.enqueue_dma source(%arg4 : memref<8x1280xf32, #tpu.memory_space<vmem>>) target(%dma_start3A_8 : memref<8x1280xf32, #tpu.memory_space<hbm>>) target_semaphore(%run_scoped3A : memref<!tpu.dma_semaphore, #tpu.memory_space<semaphore_mem>>)
      %dma_wait3A = tpu.memref_slice %arg3[%mul3A_0, %mul3A_5] : memref<16x20000xf32, #tpu.memory_space<hbm>> -> memref<8x1280xf32, #tpu.memory_space<hbm>>
      %dma_wait3A_9 = tpu.memref_slice %arg3[%mul3A_0, %mul3A_5] : memref<16x20000xf32, #tpu.memory_space<hbm>> -> memref<8x1280xf32, #tpu.memory_space<hbm>>
      tpu.wait_dma2 semaphore(%run_scoped3A : memref<!tpu.dma_semaphore, #tpu.memory_space<semaphore_mem>>) src(%arg4 : memref<8x1280xf32, #tpu.memory_space<vmem>>) dst(%dma_wait3A_9 : memref<8x1280xf32, #tpu.memory_space<hbm>>)
      tpu.yield
    }) : () -> ()
    return
  }
}

</mosaic_0001>

<sc_bundles>
// kernel: kernel.3.cloned.1.call-start
scs
__scs_entry_jumppad:
0x0: {  	(pc) =	sbr.rel $0x88, $3  }
0x1: {  	(tag) =	ssettag $0x0;
	lr =	simm.s32 $0x1  }
0x2: {  	[smem:$0x3FA0] =	sst lr;
	_ =	strace $0xD0000000  }
0x3: {  	_ = 	snop  }
0x4: {  	_ = 	snop  }
0x5: {  	_ = 	snop  }
0x6: {  	_ = 	snop  }
0x7: {  	_ = 	snop  }
__scs_overlays_trampoline_lowered:
0x8: {  	[smem:$0x3FAF] =	sst s0  }
0x9: {  	[smem:$0x3FB0] =	sst s1  }
0xa: {  	[smem:$0x3FB1] =	sst s2  }
0xb: {  	[smem:$0x3FB2] =	sst s3  }
0xc: {  	[smem:$0x3FB3] =	sst s4  }
0xd: {  	[smem:$0x3FB4] =	sst s5  }
0xe: {  	[smem:$0x3FB5] =	sst s6  }
0xf: {  	[smem:$0x3FB6] =	sst s7  }
0x10: {  	[smem:$0x3FB7] =	sst s8  }
0x11: {  	[smem:$0x3FB8] =	sst s9;
	s0 =	simm.s32 @!p0 $0x0  }
0x12: {  	s1 =	sld [smem:$0x3F9E];
	s0 =	simm.s32 @p0 $0x1  }
0x13: {  	[smem:$0x3FB9] =	sst s0;
	s0 =	simm.s32 @!p1 $0x0  }
0x14: {  	s2 =	sld [smem:$0x3F9D];
	s0 =	simm.s32 @p1 $0x1  }
0x15: {  	[smem:$0x3FBA] =	sst s0;
	s0 =	simm.s32 @!p2 $0x0  }
0x16: {  	s3 =	sld [smem:$0x3FDB];
	s0 =	simm.s32 @p2 $0x1  }
0x17: {  	s4 =	simm.s32 $0x1BF5;
	[smem:$0x3FBC] =	sst s0  }
0x18: {  	s0 =	sld [smem:$0x3F9F];
	_ =	swait.ge [sflag:s4], $0x0  }
0x19: {  	s7 =	sld [smem:$0x3FA0]  }
0x1a: {  	s8 =	sadd.s32 $0xFFFFE003, lr  }
0x1b: {  	s9 =	sadd.s32 $0xFFFFFEF7, lr;
	s5 =	simm.s32 $0xFFFFFFFF;
	p2 =	slt.u32 s8, $0xFFFFF086  }
0x1c: {  	p1 =	slt.u32 s9, $0xF7A;
	s5 =	simm.s32 @!p2 $0x0  }
0x1d: {  	s5 =	simm.s32 @p1 $0x1;
	p0 =	seq.s32 s7, s2  }
0x1e: {  	s7 =	smul.u32 @!p0 $0xF7A, s2;
	p2 =	seq.s32 @!p0 s5, $0x0  }
0x1f: {  	s9 =	smul.u32 $0xF7A, s1;
	s8 =	simm.s32 @!p0 $0x1BF5;
	p2 =	por !p2, p0  }
0x20: {  	[sflag:s8] =	ssyncset.s32 @!p0 $0xFFFFF086;
	s6 =	sadd.s32 @!p0 s3, s7;
	s7 =	simm.s32 @!p0 $0x108  }
0x21: {  	s3 =	sadd.s32 s3, s9;
	s6 =	sadd.s32 @!p0 $0x88, s6;
	s7 =	simm.s32 @p2 $0x1082  }
0x22: {  	[simem:s7], [sflag:s8] =	dma.local @!p0 [hbm:s6], $0xF7A  }
0x23: {  	s9 =	sor.u32 $0xD0000000, s2;
	s6 =	simm.s32 $0x108;
	_ =	swait.ge @!p0 [sflag:s8], $0x0  }
0x24: {  	s3 =	sadd.s32 $0x88, s3;
	s6 =	simm.s32 @!p1 $0x1082;
	[sflag:s4] =	ssyncset.s32 $0xFFFFF086  }
0x25: {  	[simem:s6], [sflag:s4] =	dma.local [hbm:s3], $0xF7A  }
0x26: {  	[smem:$0x3FA0] =	sst s1;
	(tag) =	ssettag s2;
	_ =	strace s9  }
0x27: {  	s1 =	sld [smem:$0x3FB0]  }
0x28: {  	s2 =	sld [smem:$0x3FB1]  }
0x29: {  	s4 =	sld [smem:$0x3FB3]  }
0x2a: {  	p0 =	seq.s32 s5, $0x0;
	s5 =	sld [smem:$0x3FB4]  }
0x2b: {  	s6 =	sld [smem:$0x3FB5]  }
0x2c: {  	s7 =	sld [smem:$0x3FB6]  }
0x2d: {  	s3 =	simm.s32 $0x108;
	s8 =	sld [smem:$0x3FB7]  }
0x2e: {  	s3 =	simm.s32 @!p0 $0x1082;
	s9 =	sld [smem:$0x3FB8]  }
0x2f: {  	lr =	sadd.s32 s0, s3;
	s0 =	sld [smem:$0x3FAF]  }
0x30: {  	s3 =	sld [smem:$0x3FB2]  }
0x31: {  	[smem:$0x3FBB] =	sst s10  }
0x32: {  	s10 =	sld [smem:$0x3FB9];
	_ =	sdelay $0x3  }
0x33: {  	p0 =	seq.s32 s10, $0x1;
	s10 =	sld [smem:$0x3FBB];
	_ =	sdelay $0x3  }
0x34: {  	[smem:$0x3FBB] =	sst s10  }
0x35: {  	s10 =	sld [smem:$0x3FBA];
	_ =	sdelay $0x3  }
0x36: {  	p1 =	seq.s32 s10, $0x1;
	s10 =	sld [smem:$0x3FBB];
	_ =	sdelay $0x3  }
0x37: {  	[smem:$0x3FBB] =	sst s10  }
0x38: {  	s10 =	sld [smem:$0x3FBC]  }
0x39: {  	_ = 	snop;
	(pc) =	sbr.ind lr, $3  }
0x3a: {  	_ = 	snop  }
0x3b: {  	_ = 	snop  }
0x3c: {  	p2 =	seq.s32 s10, $0x1;
	s10 =	sld [smem:$0x3FBB]  }
0x3d: {  	_ =	shalt  }
0x3e: {  	_ =	shalt  }
0x3f: {  	_ =	shalt  }
0x40: {  	_ =	shalt  }
0x41: {  	_ =	shalt  }
0x42: {  	_ =	shalt  }
0x43: {  	_ =	shalt  }
0x44: {  	_ =	shalt  }
0x45: {  	_ =	shalt  }
0x46: {  	_ =	shalt  }
0x47: {  	_ =	shalt  }
0x48: {  	_ =	shalt  }
0x49: {  	_ =	shalt  }
0x4a: {  	_ =	shalt  }
0x4b: {  	_ =	shalt  }
0x4c: {  	_ =	shalt  }
0x4d: {  	_ =	shalt  }
0x4e: {  	_ =	shalt  }
0x4f: {  	_ =	shalt  }
0x50: {  	_ =	shalt  }
0x51: {  	_ =	shalt  }
0x52: {  	_ =	shalt  }
0x53: {  	_ =	shalt  }
0x54: {  	_ =	shalt  }
0x55: {  	_ =	shalt  }
0x56: {  	_ =	shalt  }
0x57: {  	_ =	shalt  }
0x58: {  	_ =	shalt  }
0x59: {  	_ =	shalt  }
0x5a: {  	_ =	shalt  }
0x5b: {  	_ =	shalt  }
0x5c: {  	_ =	shalt  }
0x5d: {  	_ =	shalt  }
0x5e: {  	_ =	shalt  }
0x5f: {  	_ =	shalt  }
0x60: {  	_ =	shalt  }
0x61: {  	_ =	shalt  }
0x62: {  	_ =	shalt  }
0x63: {  	_ =	shalt  }
0x64: {  	_ =	shalt  }
0x65: {  	_ =	shalt  }
0x66: {  	_ =	shalt  }
0x67: {  	_ =	shalt  }
0x68: {  	_ =	shalt  }
0x69: {  	_ =	shalt  }
0x6a: {  	_ =	shalt  }
0x6b: {  	_ =	shalt  }
0x6c: {  	_ =	shalt  }
0x6d: {  	_ =	shalt  }
0x6e: {  	_ =	shalt  }
0x6f: {  	_ =	shalt  }
0x70: {  	_ =	shalt  }
0x71: {  	_ =	shalt  }
0x72: {  	_ =	shalt  }
0x73: {  	_ =	shalt  }
0x74: {  	_ =	shalt  }
0x75: {  	_ =	shalt  }
0x76: {  	_ =	shalt  }
0x77: {  	_ =	shalt  }
0x78: {  	_ =	shalt  }
0x79: {  	_ =	shalt  }
0x7a: {  	_ =	shalt  }
0x7b: {  	_ =	shalt  }
0x7c: {  	_ =	shalt  }
0x7d: {  	_ =	shalt  }
0x7e: {  	_ =	shalt  }
0x7f: {  	_ =	shalt  }
0x80: {  	_ =	shalt  }
0x81: {  	_ =	shalt  }
0x82: {  	_ =	shalt  }
0x83: {  	_ =	shalt  }
0x84: {  	_ =	shalt  }
0x85: {  	_ =	shalt  }
0x86: {  	_ =	shalt  }
0x87: {  	_ =	shalt  }
.Lfunc_end0:
.L_simem_size_0:
called_computation_lowered:
.L_overlay_start_0:
0x88: {  	s2 =	sld [smem:$0x3FD9]  }
0x89: {  	s3 =	sld [smem:$0x3FFE];
	_ =	sdelay $0x1  }
0x8a: {  	s1 =	srdreg.scid  }
0x8b: {  	s0 =	sand.u32 $0x1, s1  }
0x8c: {  	s15 =	sshll.u32 s0, $0xA;
	s2 =	sadd.s32 s3, s2  }
0x8d: {  	s2 =	sadd.s32 s2, s15  }
0x8e: {  	[smem:$0x3FC7] =	sst s2  }
0x8f: {  	_ = 	snop  }
0x90: {  	s2 =	sld [smem:$0x3FD0];
	_ =	sdelay $0x2  }
0x91: {  	s16 =	simm.s32 $0xA;
	s4 =	simm.s32 $0x10  }
0x92: {  	[smem:s4], [sflag:s16] =	dma.local [hbm:s2], $0x1  }
0x93: {  	_ =	swait.eq [sflag:s16], $0x1  }
0x94: {  	[sflag:s16] =	ssyncset.done $0x0  }
0x95: {  	s17 =	sld [smem:$0x11];
	[sflag:s16] =	ssyncadd.s32 $0xFFFFFFFF  }
0x96: {  	s18 =	sld [smem:$0x12];
	(tm) =	ssettm $0x1  }
0x97: {  	s19 =	sld [smem:$0x3FFB];
	_ =	sdelay $0x3  }
0x98: {  	_ =	strace s19  }
0x99: {  	s4 =	sld [smem:$0x3FFC];
	_ =	sdelay $0x3  }
0x9a: {  	_ =	strace s4  }
0x9b: {  	s4 =	sld [smem:$0x3FFD];
	_ =	sdelay $0x3  }
0x9c: {  	_ =	strace s4  }
0x9d: {  	_ =	strace $0x8FFFFFFF  }
0x9e: {  	s20 =	sld [smem:$0x3FDB];
	_ =	sdelay $0x1  }
0x9f: {  	s5 =	simm.s32 $_scs_section_size  }
0xa0: {  	s6 =	simm.s32 $_size__tile_overlayer_lowered;
	s7 =	simm.s32 $_tile_overlayer_lowered  }
0xa1: {  	s23 =	simm.s32 $0x1BFF;
	s22 =	sshll.u32 s7, $0x1;
	s4 =	sadd.s32 s5, s20  }
0xa2: {  	s8 =	simm.s32 $0x0;
	s21 =	sshll.u32 s6, $0x1;
	s6 =	sadd.s32 s22, s4  }
0xa3: {  	[timem:s8], [sflag:s23] =	dma.local [hbm:s6], s21  }
0xa4: {  	_ =	swait.ge [sflag:s23], s21  }
0xa5: {  	s5 =	ssub.s32 $0x0, s21;
	[sflag:s23] =	ssyncset.done $0x0  }
0xa6: {  	[sflag:s23] =	ssyncadd.s32 s5;
	_ =	sdelay $0x1  }
0xa7: {  	s24 =	simm.s32 $0x1B8B  }
0xa8: {  	_ =	swait.ge [sflag:s24], $0x1  }
0xa9: {  	[sflag:s24] =	ssyncset.done $0x0  }
0xaa: {  	s25 =	simm.s32 $0x1B8E;
	[sflag:s24] =	ssyncadd.s32 $0xFFFFFFFF  }
0xab: {  	s26 =	simm.s32 $execute0_lowered;
	[smem:$0x3FD2] =	sst s25  }
0xac: {  	s5 =	sshll.u32 s26, $0x1;
	_ =	strace $0x80000046;
	[dreg:$0x1] =	wrdreg $0xFFFFFFFF  }
0xad: {  	s28 =	simm.s32 $_size_execute0_lowered;
	s4 =	sadd.s32 s4, s5;
	[dreg:$0x0] =	wrdreg $0x0  }
0xae: {  	s5 =	sshll.u32 s28, $0x1;
	[dreg:$0x2] =	wrdreg s4  }
0xaf: {  	[dreg:$0x3] =	wrdreg s5  }
0xb0: {  	[dreg:$0x4] =	wrdreg $0xC0  }
0xb1: {  	_ =	task [dreg:s8], $0x5FFFF  }
0xb2: {  	[dreg:$0x1] =	wrdreg $0xFFFFFFFF  }
0xb3: {  	[dreg:$0x0] =	wrdreg $0x60  }
0xb4: {  	[dreg:$0x2] =	wrdreg s17  }
0xb5: {  	[dreg:$0x3] =	wrdreg s18  }
0xb6: {  	[dreg:$0x4] =	wrdreg $0x9  }
0xb7: {  	_ =	task.clear_ibuf [dreg:s8], $0x5FFFF;
	_ =	strace $0x90000046  }
0xb8: {  	s29 =	simm.s32 $0x9;
	_ =	strace $0x80000048  }
0xb9: {  	_ =	swait.ge [sflag:s29], $0x1  }
0xba: {  	[sflag:s29] =	ssyncadd.s32 $0xFFFFFFFF  }
0xbb: {  	_ =	strace $0x90000048  }
0xbc: {  	_ =	sfence  }
0xbd: {  	s30 =	sld [smem:$0x0];
	_ =	sdelay $0x2  }
0xbe: {  	s31 =	sshll.u32 s1, $0xD;
	s1 =	sshrl.u32 s1, $0x2  }
0xbf: {  	s3 =	sand.u32 $0x4000, s31;
	s1 =	sadd.s32 s1, s30  }
0xc0: {  	s0 =	sor.u32 s3, s0;
	s1 =	sshll.u32 s1, $0x11  }
0xc1: {  	s0 =	sor.u32 s1, s0  }
0xc2: {  	s0 =	sadd.s32 $0x8F2B, s0  }
0xc3: {  	[sflag:s0] =	ssyncadd.remote.s32 $0x1  }
0xc4: {  	_ =	sfence.sel $0xFFFF  }
0xc5: {  	[dreg:$0x0] =	wrdreg $0xFFFFFFFF;
	(pc) =	sbr.abs _section_cstart, $3  }
0xc6: {  	[dreg:$0x1] =	wrdreg $0xFFFFFFFF  }
0xc7: {  	_ =	task.clear_ibuf [dreg:s8], $0x2FFFF;
	_ =	strace $0x9FFFFFFF  }
0xc8: {  	(tm) =	ssettm $0x7FFFFFFF  }
0xc9: {  	_ =	shalt  }
tec
execute0_lowered:
.L_overlay_start_1:
0x0: {  	(tag) =	ssettag $0x1  }
0x1: {  	s0 =	stileid.u32  }
0x2: {  	s1 =	srdreg.scid;
	s2 =	smul.u32 $0xA, s0  }
0x3: {  	s3 =	rddreg [dreg:$0x0];
	s4 =	sand.u32 $0x1, s1  }
0x4: {  	s5 =	rddreg [dreg:$0x1];
	s6 =	smul.u32 $0x27400, s4;
	s7 =	smin.u32 s2, $0x93  }
0x5: {  	s1 =	rddreg [dreg:$0x2];
	s2 =	simm.s32 $0x0;
	s7 =	sshll.u32 s7, $0xA  }
0x6: {  	s4 =	ssub.s32 $0x2, s4;
	[smem:$0x7FF] =	sst s2;
	s6 =	sadd.s32 s6, s7  }
0x7: {  	s31 =	sshrl.u32 s4, $0x1;
	_ =	strace $0x80000047;
	s6 =	sshrl.u32 s6, $0x3  }
0x8: {  	s7 =	ssub.s32 s4, s31;
	s3 =	sadd.s32 s3, s6;
	s4 =	sadd.s32 s5, s6  }
0x9: {  	s5 =	smax.u32 s7, $0x1;
	s6 =	simm.s32 $0x1;
	s7 =	simm.s32 $0x0  }
.LBB2_1:
0xa: {  	[tilespmem:s2], [sflag:$0x1] =	stream.linear.gather [hbm4b:s3+s2], $0x2800, $0x38;
	[tilespmem:$0x2800] =	vst v63  }
0xb: {  	_ =	swait.ge [sflag:s6], $0x2800  }
0xc: {  	s8 =	sand.u32 $0x70, s2;
	s9 =	sand.u32 $0x3C00, s2;
	[sflag:s6] =	ssyncset.done $0x0  }
0xd: {  	s11 =	sor.u32 s8, s9;
	[sflag:s6] =	ssyncadd.s32 $0xFFFFD800  }
0xe: {  	v0 =	vld [tilespmem:s11+$0x180]  }
0xf: {  	v1 =	vld [tilespmem:s11+$0x100]  }
0x10: {  	v2 =	vld [tilespmem:s11+$0x80]  }
0x11: {  	v3 =	vld [tilespmem:s11+$0x300]  }
0x12: {  	s29 =	simm.s32 $0x10;
	s10 =	simm.s32 $0x80;
	v4 =	vld [tilespmem:s11+$0x200]  }
0x13: {  	s8 =	sand.u32 $0x70, s29;
	s30 =	sand.u32 $0x3C00, s10;
	v5 =	vld [tilespmem:s11+$0x0]  }
0x14: {  	s9 =	sor.u32 s8, s30;
	v6 =	vld [tilespmem:s11+$0x280]  }
0x15: {  	v7 =	vld [tilespmem:s9+$0x180];
	vm0 =	vgt.f32 v1, $1.500000060e-01  }
0x16: {  	v8 =	vld [tilespmem:s9+$0x100];
	vm1 =	vgt.f32 v2, $1.500000060e-01;
	v1 =	vsel vm0, $0x0, v1  }
0x17: {  	v9 =	vld [tilespmem:s9+$0x200];
	vm6 =	vgt.f32 v0, $1.500000060e-01;
	v2 =	vsel vm1, $0x0, v2;
	[tilespmem:s11+$0x100] =	vst v1  }
0x18: {  	v10 =	vld [tilespmem:s9+$0x300];
	vm5 =	vgt.f32 v3, $1.500000060e-01;
	v0 =	vsel vm6, $0x0, v0;
	[tilespmem:s11+$0x80] =	vst v2  }
0x19: {  	s12 =	simm.s32 $0x20;
	s8 =	simm.s32 $0x100;
	v11 =	vld [tilespmem:s9+$0x280];
	vm8 =	vgt.f32 v6, $1.500000060e-01;
	v2 =	vsel vm5, $0x0, v3;
	[tilespmem:s11+$0x180] =	vst v0  }
0x1a: {  	s13 =	sand.u32 $0x7, s2;
	s12 =	sand.u32 $0x70, s12;
	s14 =	sand.u32 $0x3C00, s8;
	vm9 =	vgt.f32 v4, $1.500000060e-01;
	v1 =	vld [tilespmem:s9+$0x80];
	v0 =	vsel vm8, $0x0, v6;
	[tilespmem:s11+$0x300] =	vst v2  }
0x1b: {  	s13 =	sshll.u32 s13, $0x4;
	s12 =	sor.u32 s12, s14;
	v12 =	vld [tilespmem:s9+$0x0];
	vm7 =	vgt.f32 v5, $1.500000060e-01;
	v3 =	vsel vm9, $0x0, v4;
	[tilespmem:s11+$0x280] =	vst v0  }
0x1c: {  	s13 =	sadd.s32 $0x0, s13;
	vm12 =	vgt.f32 v7, $1.500000060e-01;
	v2 =	vsel vm7, $0x0, v5;
	[tilespmem:s11+$0x200] =	vst v3;
	v3 =	vld [tilespmem:s12+$0x100]  }
0x1d: {  	vm10 =	vgt.f32 v8, $1.500000060e-01;
	v13 =	vsel vm12, $0x0, v7;
	v5 =	vld [tilespmem:s12+$0x80];
	[tilespmem:s11+$0x0] =	vst v2;
	s11 =	sor.u32 $0x380, s13  }
0x1e: {  	vm13 =	vgt.f32 v10, $1.500000060e-01;
	v4 =	vsel vm10, $0x0, v8;
	[tilespmem:s9+$0x180] =	vst v13;
	v0 =	vld [tilespmem:s11+$0x0]  }
0x1f: {  	vm14 =	vgt.f32 v9, $1.500000060e-01;
	[tilespmem:s9+$0x100] =	vst v4;
	v4 =	vsel vm13, $0x0, v10;
	v2 =	vld [tilespmem:s12+$0x180];
	vm11 =	vgt.f32 v1, $1.500000060e-01  }
0x20: {  	s31 =	simm.s32 $0x1;
	s15 =	simm.s32 $0x30;
	vm15 =	vgt.f32 v11, $1.500000060e-01;
	vm2 =	vgt.f32 v12, $1.500000060e-01;
	[tilespmem:s9+$0x300] =	vst v4;
	v4 =	vld [tilespmem:s12+$0x300];
	v1 =	vsel vm11, $0x0, v1  }
0x21: {  	s16 =	sand.u32 $0x7, s31;
	s14 =	simm.s32 $0x180;
	v7 =	vsel vm15, $0x0, v11;
	v6 =	vsel vm14, $0x0, v9;
	v8 =	vsel vm2, $0x0, v12;
	s13 =	simm.s32 $0x2;
	[tilespmem:s9+$0x80] =	vst v1;
	v1 =	vld [tilespmem:s12+$0x200]  }
.LBB2_2:
0x22: {  	s17 =	sand.u32 $0x70, s15  }
0x23: {  	s18 =	sand.u32 $0x3C00, s14;
	v9 =	vld [tilespmem:s12+$0x280];
	s16 =	sshll.u32 s16, $0x4;
	[tilespmem:s9+$0x0] =	vst v8;
	vm0 =	vgt.f32 v0, $1.500000060e-01;
	s19 =	smov.u32 s15  }
0x24: {  	s17 =	sor.u32 s17, s18;
	s18 =	sadd.s32 $0x10, s15;
	v8 =	vld [tilespmem:s12+$0x0];
	vm1 =	vgt.f32 v3, $1.500000060e-01;
	s10 =	sadd.s32 s16, s10;
	[tilespmem:s9+$0x280] =	vst v7;
	v7 =	vsel vm0, $0x0, v0  }
0x25: {  	p0 =	sne.s32 s15, $0x4F0;
	v10 =	vld [tilespmem:s17+$0x180];
	vm0 =	vgt.f32 v5, $1.500000060e-01;
	v11 =	vsel vm1, $0x0, v3;
	vm1 =	vgt.f32 v2, $1.500000060e-01;
	[tilespmem:s9+$0x200] =	vst v6;
	s10 =	sor.u32 $0x380, s10;
	s9 =	smov.u32 s12  }
.Ltmp0:
0x26: {  	s12 =	smov.u32 s17;
	v12 =	vsel vm0, $0x0, v5;
	v2 =	vsel vm1, $0x0, v2;
	vm0 =	vgt.f32 v1, $1.500000060e-01;
	v0 =	vld [tilespmem:s10+$0x0];
	[tilespmem:s11+$0x0] =	vst v7;
	s11 =	smov.u32 s10;
	(pc) =	sbr.rel @p0 .LBB2_2-.Ltmp0, $4  }
0x27: {  	s10 =	smov.u32 s8;
	s8 =	smov.u32 s14;
	v3 =	vld [tilespmem:s12+$0x100];
	[tilespmem:s9+$0x100] =	vst v11;
	v6 =	vsel vm0, $0x0, v1;
	vm0 =	vgt.f32 v4, $1.500000060e-01  }
0x28: {  	v5 =	vld [tilespmem:s12+$0x80];
	[tilespmem:s9+$0x80] =	vst v12;
	vm1 =	vgt.f32 v9, $1.500000060e-01;
	v4 =	vsel vm0, $0x0, v4  }
0x29: {  	s16 =	sand.u32 $0x7, s13;
	v1 =	vld [tilespmem:s12+$0x200];
	vm0 =	vgt.f32 v8, $1.500000060e-01;
	v7 =	vsel vm1, $0x0, v9;
	[tilespmem:s9+$0x300] =	vst v4  }
0x2a: {  	s13 =	sadd.s32 $0x1, s13;
	s15 =	smov.u32 s18;
	s14 =	sadd.s32 $0x80, s14;
	v4 =	vld [tilespmem:s12+$0x300];
	v8 =	vsel vm0, $0x0, v8;
	[tilespmem:s9+$0x180] =	vst v2;
	v2 =	vmov v10  }
0x2b: {  	[tilespmem:s9+$0x0] =	vst v8  }
0x2c: {  	v57 =	vld [tilespmem:s12+$0x0];
	[tilespmem:s9+$0x280] =	vst v7;
	vm9 =	vgt.f32 v2, $1.500000060e-01  }
0x2d: {  	v9 =	vld [tilespmem:s12+$0x280];
	[tilespmem:s9+$0x200] =	vst v6;
	vm0 =	vgt.f32 v3, $1.500000060e-01;
	v2 =	vsel vm9, $0x0, v2  }
0x2e: {  	vm1 =	vgt.f32 v5, $1.500000060e-01;
	v3 =	vsel vm0, $0x0, v3;
	[tilespmem:s12+$0x180] =	vst v2  }
0x2f: {  	v5 =	vsel vm1, $0x0, v5;
	[tilespmem:s12+$0x100] =	vst v3;
	vm12 =	vgt.f32 v1, $1.500000060e-01  }
0x30: {  	vm8 =	vgt.f32 v4, $1.500000060e-01;
	[tilespmem:s12+$0x80] =	vst v5;
	v1 =	vsel vm12, $0x0, v1  }
0x31: {  	s30 =	sshll.u32 s16, $0x4;
	s13 =	sand.u32 $0x7, s13;
	v58 =	vsel vm8, $0x0, v4;
	vm10 =	vgt.f32 v57, $1.500000060e-01;
	[tilespmem:s12+$0x200] =	vst v1  }
0x32: {  	s9 =	sadd.s32 s30, s10;
	s31 =	sshll.u32 s13, $0x4;
	vm11 =	vgt.f32 v9, $1.500000060e-01;
	[tilespmem:s12+$0x300] =	vst v58;
	v59 =	vsel vm10, $0x0, v57  }
0x33: {  	s9 =	sor.u32 $0x380, s9;
	s8 =	sadd.s32 s31, s8;
	v60 =	vsel vm11, $0x0, v9;
	[tilespmem:s12+$0x0] =	vst v59  }
0x34: {  	v61 =	vld [tilespmem:s9+$0x0];
	s8 =	sor.u32 $0x380, s8;
	[tilespmem:s12+$0x280] =	vst v60  }
0x35: {  	v1 =	vld [tilespmem:s8+$0x0];
	_ =	sdelay $0x2  }
0x36: {  	vm13 =	vgt.f32 v0, $1.500000060e-01  }
0x37: {  	v0 =	vsel vm13, $0x0, v0;
	vm14 =	vgt.f32 v61, $1.500000060e-01  }
0x38: {  	s7 =	sadd.s32 $0x1, s7;
	[tilespmem:s11+$0x0] =	vst v0;
	v62 =	vsel vm14, $0x0, v61;
	vm15 =	vgt.f32 v1, $1.500000060e-01  }
0x39: {  	p0 =	sne.s32 s7, s5;
	[tilespmem:s9+$0x0] =	vst v62;
	v63 =	vsel vm15, $0x0, v1  }
.Ltmp1:
0x3a: {  	[tilespmem:s8+$0x0] =	vst v63;
	(pc) =	sbr.rel @p0 .LBB2_1-.Ltmp1, $4  }
0x3b: {  	[hbm4b:s4+s2] =	stream.linear.scatter [tilespmem:s2], [sflag:$0x1], $0x2800, $0x38;
	[tilespmem:$0x2800] =	vst v63  }
0x3c: {  	_ =	swait.ge [sflag:s6], $0x2800  }
0x3d: {  	[sflag:s6] =	ssyncset.done $0x0  }
0x3e: {  	[sflag:s6] =	ssyncadd.s32 $0xFFFFD800  }
0x3f: {  	_ =	sfence.sel $0x180000  }
0x40: {  	[bflag:$0x0] =	sbarrier.arrive $0xFFFF  }
0x41: {  	p0 =	sne.s32 s0, $0x0;
	_ =	strace $0x90000047  }
0x42: {  	s0 =	sadd.s32 @!p0 $0x100000, s1;
	[bflag:$0x2] =	sbarrier.arrive $0xFFFF  }
0x43: {  	[sflag:s0] =	ssyncadd.tile.s32 @!p0 $0x1;
	_ =	shalt  }
.Lfunc_end2:
_tile_overlayer_lowered:
.L_overlay_start_2:
0x44: {  	(tag) =	ssettag $0x2  }
0x45: {  	s0 =	rddreg [dreg:$0x0];
	s2 =	stileid.u32  }
0x46: {  	s1 =	rddreg [dreg:$0x1];
	p0 =	sne.s32 s2, $0x0  }
0x47: {  	s3 =	rddreg [dreg:$0x2];
	[bflag:$0x3] =	sbarrier.arrive $0xFFFF;
	s2 =	simm.s32 @!p0 $0x1C01  }
0x48: {  	[timem:s3], [sflag:s2] =	dma.local @!p0 [hbm:s0], s1  }
0x49: {  	s0 =	simm.s32 @!p0 $0x1  }
0x4a: {  	_ =	swait.ge @!p0 [sflag:s0], s1  }
0x4b: {  	s1 =	ssub.s32 @!p0 $0x0, s1;
	[sflag:s0] =	ssyncset.done @!p0 $0x0  }
0x4c: {  	[sflag:s0] =	ssyncadd.s32 @!p0 s1  }
0x4d: {  	[bflag:$0x3] =	sbarrier.arrive $0xFFFF  }
0x4e: {  	_ =	shalt  }

</sc_bundles>
